<compile_context>
chip_gen: v7x
topology: tpu7x:2x2x1
jax: 0.10.2.dev20260603
libtpu: 0.0.44.dev20260713+nightly
codegen_flags: <defaults>
</compile_context>

<pallas_src>
import functools

import jax
import jax.numpy as jnp
from jax import lax
from jax.experimental import pallas as pl
from jax.experimental.pallas import tpu as pltpu
from jax.experimental.pallas import tpu_sc as plsc

_CHUNK = 128


@functools.cache
def _make_gather(n_rows, d, n_table):
    info = plsc.get_sparse_core_info()
    nc, ns = info.num_cores, info.num_subcores
    nw = nc * ns
    per_w = n_rows // nw
    n_chunks = per_w // _CHUNK
    t_per_s = n_table // ns
    mesh = plsc.VectorSubcoreMesh(core_axis_name="c", subcore_axis_name="s")

    @functools.partial(
        pl.kernel,
        mesh=mesh,
        out_type=jax.ShapeDtypeStruct((n_rows, d), jnp.float32),
        scratch_types=[
            pltpu.VMEM((n_chunks, _CHUNK), jnp.int32),
            pltpu.VMEM((3, _CHUNK, d), jnp.float32),
            pltpu.VMEM_SHARED((n_table, d), jnp.float32),
            pltpu.SemaphoreType.DMA((3,)),
            pltpu.SemaphoreType.DMA((3,)),
            pltpu.SemaphoreType.DMA,
        ],
    )
    def gather_kernel(table_hbm, idx_hbm, out_hbm, idx_v, rows_v, tab_sh,
                      gsem, wsem, tsem):
        sid = lax.axis_index("s")
        wid = sid * nc + lax.axis_index("c")
        base = wid * per_w
        stage = pltpu.make_async_copy(
            table_hbm.at[pl.ds(sid * t_per_s, t_per_s)],
            tab_sh.at[pl.ds(sid * t_per_s, t_per_s)],
            tsem,
        )
        stage.start()
        pltpu.sync_copy(idx_hbm.at[wid], idx_v)

        def fire_gather(u, slot):
            pltpu.async_copy(
                tab_sh.at[idx_v.at[u]], rows_v.at[slot], gsem.at[slot]
            )

        def wait_gather(slot):
            pltpu.make_async_copy(
                out_hbm.at[pl.ds(0, _CHUNK)], rows_v.at[slot], gsem.at[slot]
            ).wait()

        def write_desc(u, slot):
            return pltpu.make_async_copy(
                rows_v.at[slot],
                out_hbm.at[pl.ds(base + u * _CHUNK, _CHUNK)],
                wsem.at[slot],
            )

        pltpu.async_copy(table_hbm.at[idx_v.at[0]], rows_v.at[0], gsem.at[0])
        pltpu.async_copy(table_hbm.at[idx_v.at[1]], rows_v.at[1], gsem.at[1])
        stage.wait()
        plsc.subcore_barrier()

        def body(u, _):
            slot = lax.rem(u, 3)

            @pl.when(u >= 1)
            def _():
                write_desc(u - 1, lax.rem(u - 1, 3)).wait()

            @pl.when(u + 2 < n_chunks)
            def _():
                fire_gather(u + 2, lax.rem(u + 2, 3))

            wait_gather(slot)
            write_desc(u, slot).start()
            return 0

        lax.fori_loop(0, n_chunks, body, 0)
        write_desc(n_chunks - 1, lax.rem(n_chunks - 1, 3)).wait()

    return gather_kernel


def kernel(pe, timesteps, index_select):
    if timesteps.ndim == 1:
        return pe[: timesteps.shape[0]]
    b, l = timesteps.shape
    n = b * l
    d = pe.shape[1]
    idx = (timesteps.reshape(-1) * index_select).astype(jnp.int32)
    info = plsc.get_sparse_core_info()
    nw = info.num_cores * info.num_subcores
    idx3d = idx.reshape(nw, n // (nw * _CHUNK), _CHUNK)
    out = _make_gather(n, d, pe.shape[0])(pe, idx3d)
    return out.reshape(b, l, d)

# --- scband reference (transcript-rebuilt; emitter-appended) ---
"""Pipeline reference for scband-transformer-position-encoding-23476291240002 (READ-ONLY COPY).

The authoritative reference and input builder live on the scoring server;
editing this copy changes nothing except your own understanding.
"""

import math
import jax, jax.numpy as jnp
import numpy as np

MAX_LEN = 8192
D_MODEL = 128
B, L = 1024, 200


def make_pe(max_len, d_model):
    pe = np.zeros((max_len, d_model), dtype=np.float32)
    position = np.arange(max_len)
    half_dim = d_model // 2
    emb = np.exp(np.arange(half_dim) * -(math.log(10000.0) / half_dim))
    pe[:, :half_dim] = np.sin(position[:, None] * emb)
    pe[:, half_dim:] = np.cos(position[:, None] * emb)
    return jnp.asarray(pe)


def setup_inputs(seed: int = 0):
    key = jax.random.key(seed)
    timesteps = jax.random.randint(key, (B, L), 0, MAX_LEN, dtype=jnp.int32)
    pe = make_pe(MAX_LEN, D_MODEL)
    return {"pe": pe, "timesteps": timesteps, "index_select": 1}


def reference(pe, timesteps, index_select):
    # Faithful translation of TransformerPositionEncoding.forward
    if timesteps.ndim == 1:
        return pe[: timesteps.shape[0]]
    b, l = timesteps.shape
    # pe[timesteps.reshape(-1, 1)].reshape(B, L, d_model) -> row gather
    gathered = jnp.take(pe, timesteps.reshape(-1) * index_select, axis=0)
    return gathered.reshape(b, l, pe.shape[1])

if __name__ == "__main__":
    import jax
    _d = setup_inputs()
    print(jax.jit(kernel)(*tuple(_d.values())))

</pallas_src>

<mosaic_0001>
#map = affine_map<(d0, d1) -> (0, 0)>
#map1 = affine_map<(d0, d1) -> (0, 0, 0)>
module attributes {stable_mosaic.version = 14 : i64} {
  func.func @gather_kernel(%arg0: i32, %arg1: i32, %arg2: memref<8192x128xf32, #tpu.memory_space<hbm>>, %arg3: memref<32x50x128xi32, #tpu.memory_space<hbm>>, %arg4: memref<204800x128xf32, #tpu.memory_space<hbm>>, %arg5: memref<50x128xi32, #tpu.memory_space<vmem>>, %arg6: memref<3x128x128xf32, #tpu.memory_space<vmem>>, %arg7: memref<8192x128xf32, #tpu.memory_space<vmem_shared>>, %arg8: memref<3x!tpu.dma_semaphore, #tpu.memory_space<semaphore_mem>>, %arg9: memref<3x!tpu.dma_semaphore, #tpu.memory_space<semaphore_mem>>, %arg10: memref<!tpu.dma_semaphore, #tpu.memory_space<semaphore_mem>>) attributes {dimension_semantics = [#tpu.dimension_semantics<core_parallel>, #tpu.dimension_semantics<subcore_parallel>], iteration_bounds = array<i64: 2, 16>, scalar_prefetch = 0 : i64, scratch_operands = 6 : i64, tpu.core_type = #tpu.core_type<sc_vector_subcore>, window_params = [{transform_indices = #map}, {transform_indices = #map1}, {transform_indices = #map}]} {
    %mul3A = arith.constant 2 : i32
    %mul3A_0 = arith.muli %arg1, %mul3A : i32
    %add3A = arith.addi %mul3A_0, %arg0 : i32
    %mul3A_1 = arith.constant 6400 : i32
    %mul3A_2 = arith.muli %add3A, %mul3A_1 : i32
    %mul3A_3 = arith.constant 512 : i32
    %mul3A_4 = arith.muli %arg1, %mul3A_3 : i32
    %mul3A_5 = arith.constant 512 : i32
    %mul3A_6 = arith.muli %arg1, %mul3A_5 : i32
    %dma_start3A = arith.constant 0 : i32
    %dma_start3A_7 = tpu.memref_slice %arg7[%mul3A_6, %dma_start3A] : memref<8192x128xf32, #tpu.memory_space<vmem_shared>> -> memref<512x128xf32, #tpu.memory_space<vmem_shared>>
    %dma_start3A_8 = arith.constant 0 : i32
    %dma_start3A_9 = tpu.memref_slice %arg2[%mul3A_4, %dma_start3A_8] : memref<8192x128xf32, #tpu.memory_space<hbm>> -> memref<512x128xf32, #tpu.memory_space<hbm>>
    tpu.enqueue_dma source(%dma_start3A_9 : memref<512x128xf32, #tpu.memory_space<hbm>>) target(%dma_start3A_7 : memref<512x128xf32, #tpu.memory_space<vmem_shared>>) target_semaphore(%arg10 : memref<!tpu.dma_semaphore, #tpu.memory_space<semaphore_mem>>)
    "tpu.region"() ({
      %run_scoped3A = tpu.sem_alloc : memref<!tpu.dma_semaphore, #tpu.memory_space<semaphore_mem>>
      %dma_start3A_67 = arith.constant 0 : i32
      %dma_start3A_68 = arith.constant 0 : i32
      %dma_start3A_69 = tpu.memref_slice %arg3[%add3A, %dma_start3A_67, %dma_start3A_68] : memref<32x50x128xi32, #tpu.memory_space<hbm>> -> memref<1x50x128xi32, #tpu.memory_space<hbm>>
      %dma_start3A_70 = tpu.memref_squeeze %dma_start3A_69 : memref<1x50x128xi32, #tpu.memory_space<hbm>> -> memref<50x128xi32, #tpu.memory_space<hbm>>
      %dma_start3A_71 = arith.constant 0 : i32
      %dma_start3A_72 = arith.constant 0 : i32
      %dma_start3A_73 = tpu.memref_slice %arg3[%add3A, %dma_start3A_71, %dma_start3A_72] : memref<32x50x128xi32, #tpu.memory_space<hbm>> -> memref<1x50x128xi32, #tpu.memory_space<hbm>>
      %dma_start3A_74 = tpu.memref_squeeze %dma_start3A_73 : memref<1x50x128xi32, #tpu.memory_space<hbm>> -> memref<50x128xi32, #tpu.memory_space<hbm>>
      tpu.enqueue_dma source(%dma_start3A_74 : memref<50x128xi32, #tpu.memory_space<hbm>>) target(%arg5 : memref<50x128xi32, #tpu.memory_space<vmem>>) target_semaphore(%run_scoped3A : memref<!tpu.dma_semaphore, #tpu.memory_space<semaphore_mem>>)
      %dma_wait3A_75 = arith.constant 0 : i32
      %dma_wait3A_76 = arith.constant 0 : i32
      %dma_wait3A_77 = tpu.memref_slice %arg3[%add3A, %dma_wait3A_75, %dma_wait3A_76] : memref<32x50x128xi32, #tpu.memory_space<hbm>> -> memref<1x50x128xi32, #tpu.memory_space<hbm>>
      %dma_wait3A_78 = tpu.memref_squeeze %dma_wait3A_77 : memref<1x50x128xi32, #tpu.memory_space<hbm>> -> memref<50x128xi32, #tpu.memory_space<hbm>>
      %dma_wait3A_79 = arith.constant 0 : i32
      %dma_wait3A_80 = arith.constant 0 : i32
      %dma_wait3A_81 = tpu.memref_slice %arg3[%add3A, %dma_wait3A_79, %dma_wait3A_80] : memref<32x50x128xi32, #tpu.memory_space<hbm>> -> memref<1x50x128xi32, #tpu.memory_space<hbm>>
      %dma_wait3A_82 = tpu.memref_squeeze %dma_wait3A_81 : memref<1x50x128xi32, #tpu.memory_space<hbm>> -> memref<50x128xi32, #tpu.memory_space<hbm>>
      tpu.wait_dma2 semaphore(%run_scoped3A : memref<!tpu.dma_semaphore, #tpu.memory_space<semaphore_mem>>) src(%dma_wait3A_82 : memref<50x128xi32, #tpu.memory_space<hbm>>) dst(%arg5 : memref<50x128xi32, #tpu.memory_space<vmem>>)
      tpu.yield
    }) : () -> ()
    %dma_start3A_10 = arith.constant 0 : i32
    %dma_start3A_11 = arith.constant 0 : i32
    %dma_start3A_12 = arith.constant 0 : i32
    %dma_start3A_13 = arith.constant 0 : i32
    %dma_start3A_14 = arith.constant 0 : i32
    %dma_start3A_15 = tpu.memref_slice %arg6[%dma_start3A_11, %dma_start3A_13, %dma_start3A_14] : memref<3x128x128xf32, #tpu.memory_space<vmem>> -> memref<1x128x128xf32, #tpu.memory_space<vmem>>
    %dma_start3A_16 = tpu.memref_squeeze %dma_start3A_15 : memref<1x128x128xf32, #tpu.memory_space<vmem>> -> memref<128x128xf32, #tpu.memory_space<vmem>>
    %dma_start3A_17 = arith.constant 0 : i32
    %dma_start3A_18 = tpu.memref_slice %arg5[%dma_start3A_10, %dma_start3A_17] : memref<50x128xi32, #tpu.memory_space<vmem>> -> memref<1x128xi32, #tpu.memory_space<vmem>>
    %dma_start3A_19 = tpu.memref_squeeze %dma_start3A_18 : memref<1x128xi32, #tpu.memory_space<vmem>> -> memref<128xi32, #tpu.memory_space<vmem>>
    %dma_start3A_20 = arith.constant 0 : i32
    %dma_start3A_21 = arith.constant 0 : i32
    %dma_start3A_22 = tpu.memref_slice %arg2[%dma_start3A_20, %dma_start3A_21] : memref<8192x128xf32, #tpu.memory_space<hbm>> -> memref<8192x128xf32, #tpu.memory_space<hbm>>
    %dma_start3A_23 = tpu.memref_slice %arg8[%dma_start3A_12] : memref<3x!tpu.dma_semaphore, #tpu.memory_space<semaphore_mem>> -> memref<1x!tpu.dma_semaphore, #tpu.memory_space<semaphore_mem>>
    %dma_start3A_24 = tpu.memref_squeeze %dma_start3A_23 : memref<1x!tpu.dma_semaphore, #tpu.memory_space<semaphore_mem>> -> memref<!tpu.dma_semaphore, #tpu.memory_space<semaphore_mem>>
    tpu.enqueue_indirect_dma source(%dma_start3A_22 : memref<8192x128xf32, #tpu.memory_space<hbm>>) target(%dma_start3A_16 : memref<128x128xf32, #tpu.memory_space<vmem>>) offsets(%dma_start3A_19 : memref<128xi32, #tpu.memory_space<vmem>>) semaphore(%dma_start3A_24 : memref<!tpu.dma_semaphore, #tpu.memory_space<semaphore_mem>>)
    %dma_start3A_25 = arith.constant 1 : i32
    %dma_start3A_26 = arith.constant 1 : i32
    %dma_start3A_27 = arith.constant 1 : i32
    %dma_start3A_28 = arith.constant 0 : i32
    %dma_start3A_29 = arith.constant 0 : i32
    %dma_start3A_30 = tpu.memref_slice %arg6[%dma_start3A_26, %dma_start3A_28, %dma_start3A_29] : memref<3x128x128xf32, #tpu.memory_space<vmem>> -> memref<1x128x128xf32, #tpu.memory_space<vmem>>
    %dma_start3A_31 = tpu.memref_squeeze %dma_start3A_30 : memref<1x128x128xf32, #tpu.memory_space<vmem>> -> memref<128x128xf32, #tpu.memory_space<vmem>>
    %dma_start3A_32 = arith.constant 0 : i32
    %dma_start3A_33 = tpu.memref_slice %arg5[%dma_start3A_25, %dma_start3A_32] : memref<50x128xi32, #tpu.memory_space<vmem>> -> memref<1x128xi32, #tpu.memory_space<vmem>>
    %dma_start3A_34 = tpu.memref_squeeze %dma_start3A_33 : memref<1x128xi32, #tpu.memory_space<vmem>> -> memref<128xi32, #tpu.memory_space<vmem>>
    %dma_start3A_35 = arith.constant 0 : i32
    %dma_start3A_36 = arith.constant 0 : i32
    %dma_start3A_37 = tpu.memref_slice %arg2[%dma_start3A_35, %dma_start3A_36] : memref<8192x128xf32, #tpu.memory_space<hbm>> -> memref<8192x128xf32, #tpu.memory_space<hbm>>
    %dma_start3A_38 = tpu.memref_slice %arg8[%dma_start3A_27] : memref<3x!tpu.dma_semaphore, #tpu.memory_space<semaphore_mem>> -> memref<1x!tpu.dma_semaphore, #tpu.memory_space<semaphore_mem>>
    %dma_start3A_39 = tpu.memref_squeeze %dma_start3A_38 : memref<1x!tpu.dma_semaphore, #tpu.memory_space<semaphore_mem>> -> memref<!tpu.dma_semaphore, #tpu.memory_space<semaphore_mem>>
    tpu.enqueue_indirect_dma source(%dma_start3A_37 : memref<8192x128xf32, #tpu.memory_space<hbm>>) target(%dma_start3A_31 : memref<128x128xf32, #tpu.memory_space<vmem>>) offsets(%dma_start3A_34 : memref<128xi32, #tpu.memory_space<vmem>>) semaphore(%dma_start3A_39 : memref<!tpu.dma_semaphore, #tpu.memory_space<semaphore_mem>>)
    %dma_wait3A = arith.constant 0 : i32
    %dma_wait3A_40 = tpu.memref_slice %arg7[%mul3A_6, %dma_wait3A] : memref<8192x128xf32, #tpu.memory_space<vmem_shared>> -> memref<512x128xf32, #tpu.memory_space<vmem_shared>>
    %dma_wait3A_41 = arith.constant 0 : i32
    %dma_wait3A_42 = tpu.memref_slice %arg2[%mul3A_4, %dma_wait3A_41] : memref<8192x128xf32, #tpu.memory_space<hbm>> -> memref<512x128xf32, #tpu.memory_space<hbm>>
    tpu.wait_dma2 semaphore(%arg10 : memref<!tpu.dma_semaphore, #tpu.memory_space<semaphore_mem>>) src(%dma_wait3A_42 : memref<512x128xf32, #tpu.memory_space<hbm>>) dst(%dma_wait3A_40 : memref<512x128xf32, #tpu.memory_space<vmem_shared>>)
    %barrier3A = arith.constant 0 : index
    tpu.barrier barrier_id(%barrier3A)
    %scan3A = arith.constant 0 : i32
    %scan3A_43 = arith.constant 0 : i32
    %scan3A_44 = arith.constant 50 : i32
    %scan3A_45 = arith.addi %scan3A_43, %scan3A_44 : i32
    %scan3A_46 = arith.constant 1 : i32
    %scan3A_47 = scf.for %scan3A_67 = %scan3A_43 to %scan3A_45 step %scan3A_46 iter_args(%scan3A_68 = %scan3A) -> (i32)  : i32 {
      %rem3A_69 = arith.constant 3 : i32
      %rem3A_70 = arith.remsi %scan3A_67, %rem3A_69 : i32
      %ge3A = arith.constant 1 : i32
      %ge3A_71 = arith.cmpi sge, %scan3A_67, %ge3A : i32
      %convert_element_type3A = arith.extui %ge3A_71 : i1 to i32
      %cond3A = arith.constant 0 : i32
      %cond3A_72 = arith.cmpi ne, %convert_element_type3A, %cond3A : i32
      scf.if %cond3A_72 {
        %sub3A = arith.constant 1 : i32
        %sub3A_113 = arith.subi %scan3A_67, %sub3A : i32
        %sub3A_114 = arith.constant 1 : i32
        %sub3A_115 = arith.subi %scan3A_67, %sub3A_114 : i32
        %rem3A_116 = arith.constant 3 : i32
        %rem3A_117 = arith.remsi %sub3A_115, %rem3A_116 : i32
        %mul3A_118 = arith.constant 128 : i32
        %mul3A_119 = arith.muli %sub3A_113, %mul3A_118 : i32
        %add3A_120 = arith.addi %mul3A_2, %mul3A_119 : i32
        %dma_wait3A_121 = arith.constant 0 : i32
        %dma_wait3A_122 = arith.constant 0 : i32
        %dma_wait3A_123 = tpu.memref_slice %arg6[%rem3A_117, %dma_wait3A_121, %dma_wait3A_122] : memref<3x128x128xf32, #tpu.memory_space<vmem>> -> memref<1x128x128xf32, #tpu.memory_space<vmem>>
        %dma_wait3A_124 = tpu.memref_squeeze %dma_wait3A_123 : memref<1x128x128xf32, #tpu.memory_space<vmem>> -> memref<128x128xf32, #tpu.memory_space<vmem>>
        %dma_wait3A_125 = arith.constant 0 : i32
        %dma_wait3A_126 = tpu.memref_slice %arg4[%add3A_120, %dma_wait3A_125] : memref<204800x128xf32, #tpu.memory_space<hbm>> -> memref<128x128xf32, #tpu.memory_space<hbm>>
        %dma_wait3A_127 = tpu.memref_slice %arg9[%rem3A_117] : memref<3x!tpu.dma_semaphore, #tpu.memory_space<semaphore_mem>> -> memref<1x!tpu.dma_semaphore, #tpu.memory_space<semaphore_mem>>
        %dma_wait3A_128 = tpu.memref_squeeze %dma_wait3A_127 : memref<1x!tpu.dma_semaphore, #tpu.memory_space<semaphore_mem>> -> memref<!tpu.dma_semaphore, #tpu.memory_space<semaphore_mem>>
        %dma_wait3A_129 = arith.constant 0 : i32
        %dma_wait3A_130 = tpu.memref_slice %arg4[%add3A_120, %dma_wait3A_129] : memref<204800x128xf32, #tpu.memory_space<hbm>> -> memref<128x128xf32, #tpu.memory_space<hbm>>
        %dma_wait3A_131 = arith.constant 0 : i32
        %dma_wait3A_132 = arith.constant 0 : i32
        %dma_wait3A_133 = tpu.memref_slice %arg6[%rem3A_117, %dma_wait3A_131, %dma_wait3A_132] : memref<3x128x128xf32, #tpu.memory_space<vmem>> -> memref<1x128x128xf32, #tpu.memory_space<vmem>>
        %dma_wait3A_134 = tpu.memref_squeeze %dma_wait3A_133 : memref<1x128x128xf32, #tpu.memory_space<vmem>> -> memref<128x128xf32, #tpu.memory_space<vmem>>
        tpu.wait_dma2 semaphore(%dma_wait3A_128 : memref<!tpu.dma_semaphore, #tpu.memory_space<semaphore_mem>>) src(%dma_wait3A_134 : memref<128x128xf32, #tpu.memory_space<vmem>>) dst(%dma_wait3A_130 : memref<128x128xf32, #tpu.memory_space<hbm>>)
      } else {
      }
      %add3A_73 = arith.constant 2 : i32
      %add3A_74 = arith.addi %scan3A_67, %add3A_73 : i32
      %lt3A = arith.constant 50 : i32
      %lt3A_75 = arith.cmpi slt, %add3A_74, %lt3A : i32
      %convert_element_type3A_76 = arith.extui %lt3A_75 : i1 to i32
      %cond3A_77 = arith.constant 0 : i32
      %cond3A_78 = arith.cmpi ne, %convert_element_type3A_76, %cond3A_77 : i32
      scf.if %cond3A_78 {
        %add3A_113 = arith.constant 2 : i32
        %add3A_114 = arith.addi %scan3A_67, %add3A_113 : i32
        %add3A_115 = arith.constant 2 : i32
        %add3A_116 = arith.addi %scan3A_67, %add3A_115 : i32
        %rem3A_117 = arith.constant 3 : i32
        %rem3A_118 = arith.remsi %add3A_116, %rem3A_117 : i32
        %dma_start3A_119 = arith.constant 0 : i32
        %dma_start3A_120 = arith.constant 0 : i32
        %dma_start3A_121 = tpu.memref_slice %arg6[%rem3A_118, %dma_start3A_119, %dma_start3A_120] : memref<3x128x128xf32, #tpu.memory_space<vmem>> -> memref<1x128x128xf32, #tpu.memory_space<vmem>>
        %dma_start3A_122 = tpu.memref_squeeze %dma_start3A_121 : memref<1x128x128xf32, #tpu.memory_space<vmem>> -> memref<128x128xf32, #tpu.memory_space<vmem>>
        %dma_start3A_123 = arith.constant 0 : i32
        %dma_start3A_124 = tpu.memref_slice %arg5[%add3A_114, %dma_start3A_123] : memref<50x128xi32, #tpu.memory_space<vmem>> -> memref<1x128xi32, #tpu.memory_space<vmem>>
        %dma_start3A_125 = tpu.memref_squeeze %dma_start3A_124 : memref<1x128xi32, #tpu.memory_space<vmem>> -> memref<128xi32, #tpu.memory_space<vmem>>
        %dma_start3A_126 = arith.constant 0 : i32
        %dma_start3A_127 = arith.constant 0 : i32
        %dma_start3A_128 = tpu.memref_slice %arg7[%dma_start3A_126, %dma_start3A_127] : memref<8192x128xf32, #tpu.memory_space<vmem_shared>> -> memref<8192x128xf32, #tpu.memory_space<vmem_shared>>
        %dma_start3A_129 = tpu.memref_slice %arg8[%rem3A_118] : memref<3x!tpu.dma_semaphore, #tpu.memory_space<semaphore_mem>> -> memref<1x!tpu.dma_semaphore, #tpu.memory_space<semaphore_mem>>
        %dma_start3A_130 = tpu.memref_squeeze %dma_start3A_129 : memref<1x!tpu.dma_semaphore, #tpu.memory_space<semaphore_mem>> -> memref<!tpu.dma_semaphore, #tpu.memory_space<semaphore_mem>>
        tpu.enqueue_indirect_dma source(%dma_start3A_128 : memref<8192x128xf32, #tpu.memory_space<vmem_shared>>) target(%dma_start3A_122 : memref<128x128xf32, #tpu.memory_space<vmem>>) offsets(%dma_start3A_125 : memref<128xi32, #tpu.memory_space<vmem>>) semaphore(%dma_start3A_130 : memref<!tpu.dma_semaphore, #tpu.memory_space<semaphore_mem>>)
      } else {
      }
      %dma_wait3A_79 = arith.constant 0 : i32
      %dma_wait3A_80 = arith.constant 0 : i32
      %dma_wait3A_81 = tpu.memref_slice %arg6[%rem3A_70, %dma_wait3A_79, %dma_wait3A_80] : memref<3x128x128xf32, #tpu.memory_space<vmem>> -> memref<1x128x128xf32, #tpu.memory_space<vmem>>
      %dma_wait3A_82 = tpu.memref_squeeze %dma_wait3A_81 : memref<1x128x128xf32, #tpu.memory_space<vmem>> -> memref<128x128xf32, #tpu.memory_space<vmem>>
      %dma_wait3A_83 = arith.constant 0 : i32
      %dma_wait3A_84 = arith.constant 0 : i32
      %dma_wait3A_85 = tpu.memref_slice %arg4[%dma_wait3A_83, %dma_wait3A_84] : memref<204800x128xf32, #tpu.memory_space<hbm>> -> memref<128x128xf32, #tpu.memory_space<hbm>>
      %dma_wait3A_86 = tpu.memref_slice %arg8[%rem3A_70] : memref<3x!tpu.dma_semaphore, #tpu.memory_space<semaphore_mem>> -> memref<1x!tpu.dma_semaphore, #tpu.memory_space<semaphore_mem>>
      %dma_wait3A_87 = tpu.memref_squeeze %dma_wait3A_86 : memref<1x!tpu.dma_semaphore, #tpu.memory_space<semaphore_mem>> -> memref<!tpu.dma_semaphore, #tpu.memory_space<semaphore_mem>>
      %dma_wait3A_88 = arith.constant 0 : i32
      %dma_wait3A_89 = arith.constant 0 : i32
      %dma_wait3A_90 = tpu.memref_slice %arg6[%rem3A_70, %dma_wait3A_88, %dma_wait3A_89] : memref<3x128x128xf32, #tpu.memory_space<vmem>> -> memref<1x128x128xf32, #tpu.memory_space<vmem>>
      %dma_wait3A_91 = tpu.memref_squeeze %dma_wait3A_90 : memref<1x128x128xf32, #tpu.memory_space<vmem>> -> memref<128x128xf32, #tpu.memory_space<vmem>>
      %dma_wait3A_92 = arith.constant 0 : i32
      %dma_wait3A_93 = arith.constant 0 : i32
      %dma_wait3A_94 = tpu.memref_slice %arg4[%dma_wait3A_92, %dma_wait3A_93] : memref<204800x128xf32, #tpu.memory_space<hbm>> -> memref<128x128xf32, #tpu.memory_space<hbm>>
      tpu.wait_dma2 semaphore(%dma_wait3A_87 : memref<!tpu.dma_semaphore, #tpu.memory_space<semaphore_mem>>) src(%dma_wait3A_94 : memref<128x128xf32, #tpu.memory_space<hbm>>) dst(%dma_wait3A_91 : memref<128x128xf32, #tpu.memory_space<vmem>>)
      %mul3A_95 = arith.constant 128 : i32
      %mul3A_96 = arith.muli %scan3A_67, %mul3A_95 : i32
      %add3A_97 = arith.addi %mul3A_2, %mul3A_96 : i32
      %dma_start3A_98 = arith.constant 0 : i32
      %dma_start3A_99 = arith.constant 0 : i32
      %dma_start3A_100 = tpu.memref_slice %arg6[%rem3A_70, %dma_start3A_98, %dma_start3A_99] : memref<3x128x128xf32, #tpu.memory_space<vmem>> -> memref<1x128x128xf32, #tpu.memory_space<vmem>>
      %dma_start3A_101 = tpu.memref_squeeze %dma_start3A_100 : memref<1x128x128xf32, #tpu.memory_space<vmem>> -> memref<128x128xf32, #tpu.memory_space<vmem>>
      %dma_start3A_102 = arith.constant 0 : i32
      %dma_start3A_103 = tpu.memref_slice %arg4[%add3A_97, %dma_start3A_102] : memref<204800x128xf32, #tpu.memory_space<hbm>> -> memref<128x128xf32, #tpu.memory_space<hbm>>
      %dma_start3A_104 = tpu.memref_slice %arg9[%rem3A_70] : memref<3x!tpu.dma_semaphore, #tpu.memory_space<semaphore_mem>> -> memref<1x!tpu.dma_semaphore, #tpu.memory_space<semaphore_mem>>
      %dma_start3A_105 = tpu.memref_squeeze %dma_start3A_104 : memref<1x!tpu.dma_semaphore, #tpu.memory_space<semaphore_mem>> -> memref<!tpu.dma_semaphore, #tpu.memory_space<semaphore_mem>>
      %dma_start3A_106 = arith.constant 0 : i32
      %dma_start3A_107 = tpu.memref_slice %arg4[%add3A_97, %dma_start3A_106] : memref<204800x128xf32, #tpu.memory_space<hbm>> -> memref<128x128xf32, #tpu.memory_space<hbm>>
      %dma_start3A_108 = arith.constant 0 : i32
      %dma_start3A_109 = arith.constant 0 : i32
      %dma_start3A_110 = tpu.memref_slice %arg6[%rem3A_70, %dma_start3A_108, %dma_start3A_109] : memref<3x128x128xf32, #tpu.memory_space<vmem>> -> memref<1x128x128xf32, #tpu.memory_space<vmem>>
      %dma_start3A_111 = tpu.memref_squeeze %dma_start3A_110 : memref<1x128x128xf32, #tpu.memory_space<vmem>> -> memref<128x128xf32, #tpu.memory_space<vmem>>
      tpu.enqueue_dma source(%dma_start3A_111 : memref<128x128xf32, #tpu.memory_space<vmem>>) target(%dma_start3A_107 : memref<128x128xf32, #tpu.memory_space<hbm>>) target_semaphore(%dma_start3A_105 : memref<!tpu.dma_semaphore, #tpu.memory_space<semaphore_mem>>)
      %scan3A_112 = arith.constant 0 : i32
      scf.yield %scan3A_112 : i32
    }
    %scan3A_48 = arith.constant 50 : i32
    %rem3A = arith.constant 49 : i32
    %rem3A_49 = arith.constant 3 : i32
    %rem3A_50 = arith.remsi %rem3A, %rem3A_49 : i32
    %add3A_51 = arith.constant 6272 : i32
    %add3A_52 = arith.addi %mul3A_2, %add3A_51 : i32
    %dma_wait3A_53 = arith.constant 0 : i32
    %dma_wait3A_54 = arith.constant 0 : i32
    %dma_wait3A_55 = tpu.memref_slice %arg6[%rem3A_50, %dma_wait3A_53, %dma_wait3A_54] : memref<3x128x128xf32, #tpu.memory_space<vmem>> -> memref<1x128x128xf32, #tpu.memory_space<vmem>>
    %dma_wait3A_56 = tpu.memref_squeeze %dma_wait3A_55 : memref<1x128x128xf32, #tpu.memory_space<vmem>> -> memref<128x128xf32, #tpu.memory_space<vmem>>
    %dma_wait3A_57 = arith.constant 0 : i32
    %dma_wait3A_58 = tpu.memref_slice %arg4[%add3A_52, %dma_wait3A_57] : memref<204800x128xf32, #tpu.memory_space<hbm>> -> memref<128x128xf32, #tpu.memory_space<hbm>>
    %dma_wait3A_59 = tpu.memref_slice %arg9[%rem3A_50] : memref<3x!tpu.dma_semaphore, #tpu.memory_space<semaphore_mem>> -> memref<1x!tpu.dma_semaphore, #tpu.memory_space<semaphore_mem>>
    %dma_wait3A_60 = tpu.memref_squeeze %dma_wait3A_59 : memref<1x!tpu.dma_semaphore, #tpu.memory_space<semaphore_mem>> -> memref<!tpu.dma_semaphore, #tpu.memory_space<semaphore_mem>>
    %dma_wait3A_61 = arith.constant 0 : i32
    %dma_wait3A_62 = tpu.memref_slice %arg4[%add3A_52, %dma_wait3A_61] : memref<204800x128xf32, #tpu.memory_space<hbm>> -> memref<128x128xf32, #tpu.memory_space<hbm>>
    %dma_wait3A_63 = arith.constant 0 : i32
    %dma_wait3A_64 = arith.constant 0 : i32
    %dma_wait3A_65 = tpu.memref_slice %arg6[%rem3A_50, %dma_wait3A_63, %dma_wait3A_64] : memref<3x128x128xf32, #tpu.memory_space<vmem>> -> memref<1x128x128xf32, #tpu.memory_space<vmem>>
    %dma_wait3A_66 = tpu.memref_squeeze %dma_wait3A_65 : memref<1x128x128xf32, #tpu.memory_space<vmem>> -> memref<128x128xf32, #tpu.memory_space<vmem>>
    tpu.wait_dma2 semaphore(%dma_wait3A_60 : memref<!tpu.dma_semaphore, #tpu.memory_space<semaphore_mem>>) src(%dma_wait3A_66 : memref<128x128xf32, #tpu.memory_space<vmem>>) dst(%dma_wait3A_62 : memref<128x128xf32, #tpu.memory_space<hbm>>)
    return
  }
}

</mosaic_0001>

<sc_bundles>
// kernel: kernel.3.cloned.1.call-start
scs
__scs_entry_jumppad:
0x0: {  	(pc) =	sbr.rel $0x88, $3  }
0x1: {  	(tag) =	ssettag $0x0;
	lr =	simm.s32 $0x1  }
0x2: {  	[smem:$0x3F9E] =	sst lr;
	_ =	strace $0xD0000000  }
0x3: {  	_ = 	snop  }
0x4: {  	_ = 	snop  }
0x5: {  	_ = 	snop  }
0x6: {  	_ = 	snop  }
0x7: {  	_ = 	snop  }
__scs_overlays_trampoline_lowered:
0x8: {  	[smem:$0x3FAD] =	sst s0  }
0x9: {  	[smem:$0x3FAE] =	sst s1  }
0xa: {  	[smem:$0x3FAF] =	sst s2  }
0xb: {  	[smem:$0x3FB0] =	sst s3  }
0xc: {  	[smem:$0x3FB1] =	sst s4  }
0xd: {  	[smem:$0x3FB2] =	sst s5  }
0xe: {  	[smem:$0x3FB3] =	sst s6  }
0xf: {  	[smem:$0x3FB4] =	sst s7  }
0x10: {  	[smem:$0x3FB5] =	sst s8  }
0x11: {  	[smem:$0x3FB6] =	sst s9;
	s0 =	simm.s32 @!p0 $0x0  }
0x12: {  	s1 =	sld [smem:$0x3F9C];
	s0 =	simm.s32 @p0 $0x1  }
0x13: {  	[smem:$0x3FB7] =	sst s0;
	s0 =	simm.s32 @!p1 $0x0  }
0x14: {  	s2 =	sld [smem:$0x3F9B];
	s0 =	simm.s32 @p1 $0x1  }
0x15: {  	[smem:$0x3FB8] =	sst s0;
	s0 =	simm.s32 @!p2 $0x0  }
0x16: {  	s3 =	sld [smem:$0x3FDB];
	s0 =	simm.s32 @p2 $0x1  }
0x17: {  	s4 =	simm.s32 $0x1BF5;
	[smem:$0x3FBA] =	sst s0  }
0x18: {  	s0 =	sld [smem:$0x3F9D];
	_ =	swait.ge [sflag:s4], $0x0  }
0x19: {  	s7 =	sld [smem:$0x3F9E]  }
0x1a: {  	s8 =	sadd.s32 $0xFFFFE003, lr  }
0x1b: {  	s9 =	sadd.s32 $0xFFFFFEF7, lr;
	s5 =	simm.s32 $0xFFFFFFFF;
	p2 =	slt.u32 s8, $0xFFFFF086  }
0x1c: {  	p1 =	slt.u32 s9, $0xF7A;
	s5 =	simm.s32 @!p2 $0x0  }
0x1d: {  	s5 =	simm.s32 @p1 $0x1;
	p0 =	seq.s32 s7, s2  }
0x1e: {  	s7 =	smul.u32 @!p0 $0xF7A, s2;
	p2 =	seq.s32 @!p0 s5, $0x0  }
0x1f: {  	s9 =	smul.u32 $0xF7A, s1;
	s8 =	simm.s32 @!p0 $0x1BF5;
	p2 =	por !p2, p0  }
0x20: {  	[sflag:s8] =	ssyncset.s32 @!p0 $0xFFFFF086;
	s6 =	sadd.s32 @!p0 s3, s7;
	s7 =	simm.s32 @!p0 $0x108  }
0x21: {  	s3 =	sadd.s32 s3, s9;
	s6 =	sadd.s32 @!p0 $0x88, s6;
	s7 =	simm.s32 @p2 $0x1082  }
0x22: {  	[simem:s7], [sflag:s8] =	dma.local @!p0 [hbm:s6], $0xF7A  }
0x23: {  	s9 =	sor.u32 $0xD0000000, s2;
	s6 =	simm.s32 $0x108;
	_ =	swait.ge @!p0 [sflag:s8], $0x0  }
0x24: {  	s3 =	sadd.s32 $0x88, s3;
	s6 =	simm.s32 @!p1 $0x1082;
	[sflag:s4] =	ssyncset.s32 $0xFFFFF086  }
0x25: {  	[simem:s6], [sflag:s4] =	dma.local [hbm:s3], $0xF7A  }
0x26: {  	[smem:$0x3F9E] =	sst s1;
	(tag) =	ssettag s2;
	_ =	strace s9  }
0x27: {  	s1 =	sld [smem:$0x3FAE]  }
0x28: {  	s2 =	sld [smem:$0x3FAF]  }
0x29: {  	s4 =	sld [smem:$0x3FB1]  }
0x2a: {  	p0 =	seq.s32 s5, $0x0;
	s5 =	sld [smem:$0x3FB2]  }
0x2b: {  	s6 =	sld [smem:$0x3FB3]  }
0x2c: {  	s7 =	sld [smem:$0x3FB4]  }
0x2d: {  	s3 =	simm.s32 $0x108;
	s8 =	sld [smem:$0x3FB5]  }
0x2e: {  	s3 =	simm.s32 @!p0 $0x1082;
	s9 =	sld [smem:$0x3FB6]  }
0x2f: {  	lr =	sadd.s32 s0, s3;
	s0 =	sld [smem:$0x3FAD]  }
0x30: {  	s3 =	sld [smem:$0x3FB0]  }
0x31: {  	[smem:$0x3FB9] =	sst s10  }
0x32: {  	s10 =	sld [smem:$0x3FB7];
	_ =	sdelay $0x3  }
0x33: {  	p0 =	seq.s32 s10, $0x1;
	s10 =	sld [smem:$0x3FB9];
	_ =	sdelay $0x3  }
0x34: {  	[smem:$0x3FB9] =	sst s10  }
0x35: {  	s10 =	sld [smem:$0x3FB8];
	_ =	sdelay $0x3  }
0x36: {  	p1 =	seq.s32 s10, $0x1;
	s10 =	sld [smem:$0x3FB9];
	_ =	sdelay $0x3  }
0x37: {  	[smem:$0x3FB9] =	sst s10  }
0x38: {  	s10 =	sld [smem:$0x3FBA]  }
0x39: {  	_ = 	snop;
	(pc) =	sbr.ind lr, $3  }
0x3a: {  	_ = 	snop  }
0x3b: {  	_ = 	snop  }
0x3c: {  	p2 =	seq.s32 s10, $0x1;
	s10 =	sld [smem:$0x3FB9]  }
0x3d: {  	_ =	shalt  }
0x3e: {  	_ =	shalt  }
0x3f: {  	_ =	shalt  }
0x40: {  	_ =	shalt  }
0x41: {  	_ =	shalt  }
0x42: {  	_ =	shalt  }
0x43: {  	_ =	shalt  }
0x44: {  	_ =	shalt  }
0x45: {  	_ =	shalt  }
0x46: {  	_ =	shalt  }
0x47: {  	_ =	shalt  }
0x48: {  	_ =	shalt  }
0x49: {  	_ =	shalt  }
0x4a: {  	_ =	shalt  }
0x4b: {  	_ =	shalt  }
0x4c: {  	_ =	shalt  }
0x4d: {  	_ =	shalt  }
0x4e: {  	_ =	shalt  }
0x4f: {  	_ =	shalt  }
0x50: {  	_ =	shalt  }
0x51: {  	_ =	shalt  }
0x52: {  	_ =	shalt  }
0x53: {  	_ =	shalt  }
0x54: {  	_ =	shalt  }
0x55: {  	_ =	shalt  }
0x56: {  	_ =	shalt  }
0x57: {  	_ =	shalt  }
0x58: {  	_ =	shalt  }
0x59: {  	_ =	shalt  }
0x5a: {  	_ =	shalt  }
0x5b: {  	_ =	shalt  }
0x5c: {  	_ =	shalt  }
0x5d: {  	_ =	shalt  }
0x5e: {  	_ =	shalt  }
0x5f: {  	_ =	shalt  }
0x60: {  	_ =	shalt  }
0x61: {  	_ =	shalt  }
0x62: {  	_ =	shalt  }
0x63: {  	_ =	shalt  }
0x64: {  	_ =	shalt  }
0x65: {  	_ =	shalt  }
0x66: {  	_ =	shalt  }
0x67: {  	_ =	shalt  }
0x68: {  	_ =	shalt  }
0x69: {  	_ =	shalt  }
0x6a: {  	_ =	shalt  }
0x6b: {  	_ =	shalt  }
0x6c: {  	_ =	shalt  }
0x6d: {  	_ =	shalt  }
0x6e: {  	_ =	shalt  }
0x6f: {  	_ =	shalt  }
0x70: {  	_ =	shalt  }
0x71: {  	_ =	shalt  }
0x72: {  	_ =	shalt  }
0x73: {  	_ =	shalt  }
0x74: {  	_ =	shalt  }
0x75: {  	_ =	shalt  }
0x76: {  	_ =	shalt  }
0x77: {  	_ =	shalt  }
0x78: {  	_ =	shalt  }
0x79: {  	_ =	shalt  }
0x7a: {  	_ =	shalt  }
0x7b: {  	_ =	shalt  }
0x7c: {  	_ =	shalt  }
0x7d: {  	_ =	shalt  }
0x7e: {  	_ =	shalt  }
0x7f: {  	_ =	shalt  }
0x80: {  	_ =	shalt  }
0x81: {  	_ =	shalt  }
0x82: {  	_ =	shalt  }
0x83: {  	_ =	shalt  }
0x84: {  	_ =	shalt  }
0x85: {  	_ =	shalt  }
0x86: {  	_ =	shalt  }
0x87: {  	_ =	shalt  }
.Lfunc_end0:
.L_simem_size_0:
called_computation_lowered:
.L_overlay_start_0:
0x88: {  	s2 =	sld [smem:$0x3FD9]  }
0x89: {  	s3 =	sld [smem:$0x3FFE];
	_ =	sdelay $0x1  }
0x8a: {  	s1 =	srdreg.scid  }
0x8b: {  	s0 =	sand.u32 $0x1, s1  }
0x8c: {  	s17 =	sshll.u32 s0, $0xA;
	s2 =	sadd.s32 s3, s2  }
0x8d: {  	s2 =	sadd.s32 s2, s17  }
0x8e: {  	[smem:$0x3FC5] =	sst s2  }
0x8f: {  	_ = 	snop  }
0x90: {  	s2 =	sld [smem:$0x3FC9]  }
0x91: {  	s18 =	sld [smem:$0x3FD0];
	(tm) =	ssettm $0x1  }
0x92: {  	s4 =	sld [smem:$0x3FFB];
	_ =	sdelay $0x3  }
0x93: {  	_ =	strace s4  }
0x94: {  	s4 =	sld [smem:$0x3FFC];
	_ =	sdelay $0x3  }
0x95: {  	_ =	strace s4  }
0x96: {  	s4 =	sld [smem:$0x3FFD];
	_ =	sdelay $0x3  }
0x97: {  	_ =	strace s4  }
0x98: {  	_ =	strace $0x8FFFFFFF  }
0x99: {  	s19 =	sld [smem:$0x3FDB];
	_ =	sdelay $0x1  }
0x9a: {  	s5 =	simm.s32 $_scs_section_size  }
0x9b: {  	s6 =	simm.s32 $_size__tile_overlayer_lowered;
	s7 =	simm.s32 $_tile_overlayer_lowered  }
0x9c: {  	s22 =	simm.s32 $0x1BFF;
	s21 =	sshll.u32 s7, $0x1;
	s4 =	sadd.s32 s5, s19  }
0x9d: {  	s8 =	simm.s32 $0x0;
	s20 =	sshll.u32 s6, $0x1;
	s6 =	sadd.s32 s21, s4  }
0x9e: {  	[timem:s8], [sflag:s22] =	dma.local [hbm:s6], s20  }
0x9f: {  	_ =	swait.ge [sflag:s22], s20  }
0xa0: {  	s5 =	ssub.s32 $0x0, s20;
	[sflag:s22] =	ssyncset.done $0x0  }
0xa1: {  	[sflag:s22] =	ssyncadd.s32 s5;
	_ =	sdelay $0x1  }
0xa2: {  	s23 =	simm.s32 $0x1B8B  }
0xa3: {  	_ =	swait.ge [sflag:s23], $0x1  }
0xa4: {  	[sflag:s23] =	ssyncset.done $0x0  }
0xa5: {  	s25 =	simm.s32 $0x1B8E;
	s24 =	sld [smem:$0x3FFE];
	[sflag:s23] =	ssyncadd.s32 $0xFFFFFFFF  }
0xa6: {  	s26 =	simm.s32 $execute0_lowered;
	[smem:$0x3FD2] =	sst s25  }
0xa7: {  	s6 =	sshll.u32 s26, $0x1;
	_ =	strace $0x80000046;
	[dreg:$0x1] =	wrdreg $0xFFFFFFFF  }
0xa8: {  	s28 =	simm.s32 $_size_execute0_lowered;
	s4 =	sadd.s32 s4, s6;
	[dreg:$0x0] =	wrdreg $0x0  }
0xa9: {  	s6 =	sshll.u32 s28, $0x1;
	[dreg:$0x2] =	wrdreg s4  }
0xaa: {  	[dreg:$0x3] =	wrdreg s6  }
0xab: {  	[dreg:$0x4] =	wrdreg $0xC0  }
0xac: {  	_ =	task [dreg:s8], $0x5FFFF  }
0xad: {  	[dreg:$0x1] =	wrdreg $0xFFFFFFFF  }
0xae: {  	[dreg:$0x0] =	wrdreg $0x60  }
0xaf: {  	[dreg:$0x2] =	wrdreg s2  }
0xb0: {  	[dreg:$0x3] =	wrdreg s24  }
0xb1: {  	[dreg:$0x4] =	wrdreg s18  }
0xb2: {  	[dreg:$0x5] =	wrdreg $0xDC000  }
0xb3: {  	[dreg:$0x6] =	wrdreg $0x9  }
0xb4: {  	_ =	task.clear_ibuf [dreg:s8], $0x7FFFF;
	_ =	strace $0x90000046  }
0xb5: {  	s29 =	simm.s32 $0x9;
	_ =	strace $0x80000048  }
0xb6: {  	_ =	swait.ge [sflag:s29], $0x1  }
0xb7: {  	[sflag:s29] =	ssyncadd.s32 $0xFFFFFFFF  }
0xb8: {  	_ =	strace $0x90000048  }
0xb9: {  	_ =	sfence  }
0xba: {  	s30 =	sld [smem:$0x0];
	_ =	sdelay $0x2  }
0xbb: {  	s31 =	sshll.u32 s1, $0xD;
	s1 =	sshrl.u32 s1, $0x2  }
0xbc: {  	s3 =	sand.u32 $0x4000, s31;
	s1 =	sadd.s32 s1, s30  }
0xbd: {  	s0 =	sor.u32 s3, s0;
	s1 =	sshll.u32 s1, $0x11  }
0xbe: {  	s0 =	sor.u32 s1, s0  }
0xbf: {  	s0 =	sadd.s32 $0x8F2B, s0  }
0xc0: {  	[sflag:s0] =	ssyncadd.remote.s32 $0x1  }
0xc1: {  	_ =	sfence.sel $0xFFFF  }
0xc2: {  	[dreg:$0x0] =	wrdreg $0xFFFFFFFF;
	(pc) =	sbr.abs _section_cstart, $3  }
0xc3: {  	[dreg:$0x1] =	wrdreg $0xFFFFFFFF  }
0xc4: {  	_ =	task.clear_ibuf [dreg:s8], $0x2FFFF;
	_ =	strace $0x9FFFFFFF  }
0xc5: {  	(tm) =	ssettm $0x7FFFFFFF  }
tec
execute0_lowered:
.L_overlay_start_1:
0x0: {  	(tag) =	ssettag $0x1  }
0x1: {  	s1 =	rddreg [dreg:$0x0]  }
0x2: {  	s5 =	rddreg [dreg:$0x1]  }
0x3: {  	s9 =	rddreg [dreg:$0x2];
	s2 =	srdreg.scid  }
0x4: {  	s0 =	stileid.u32;
	s3 =	rddreg [dreg:$0x3]  }
0x5: {  	s4 =	simm.s32 $0x0;
	s13 =	simm.s32 $0x1C00;
	s14 =	simm.s32 $0x5C00  }
0x6: {  	s15 =	simm.s32 $0x7;
	s16 =	simm.s32 $0x5;
	s17 =	simm.s32 $0x0  }
0x7: {  	s6 =	sand.u32 $0x1, s2;
	s7 =	sshll.u32 s0, $0x1;
	s2 =	rddreg [dreg:$0x4]  }
0x8: {  	[smem:$0x7FF] =	sst s4;
	s10 =	smul.u32 $0x190000, s0;
	s29 =	sshll.u32 s0, $0x10  }
0x9: {  	s30 =	sshll.u32 s0, $0xD;
	s31 =	sshll.u32 s0, $0x6;
	s7 =	sor.u32 s6, s7  }
0xa: {  	_ =	strace $0x80000047;
	s8 =	ssub.s32 $0x2, s6;
	s11 =	smul.u32 $0xC8000, s6  }
0xb: {  	s12 =	sadd.s32 s29, s3;
	s7 =	smul.u32 $0x380, s7;
	s28 =	sshrl.u32 s8, $0x1  }
0xc: {  	s6 =	sor.u32 $0x1C07, s31;
	s8 =	ssub.s32 s8, s28;
	s10 =	sadd.s32 s11, s10  }
0xd: {  	s11 =	simm.s32 $0x8;
	s7 =	sadd.s32 s7, s5;
	s5 =	sadd.s32 s1, s30  }
0xe: {  	s8 =	smax.u32 s8, $0x1;
	s10 =	sshrl.u32 s10, $0x3;
	s7 =	sadd.s32 $0x400, s7  }
0xf: {  	s9 =	sadd.s32 s10, s9;
	s10 =	sshrl.u32 s12, $0x3;
	s12 =	simm.s32 $0x80  }
.LBB2_1:
0x10: {  	[spmem:s10], [sflag:s6] =	dma.local [hbm:s5], $0x2000  }
0x11: {  	[tilespmem:s4], [sflag:$0x8] =	stream.linear.gather [hbm4b:s7+s4], $0x1900, $0x38;
	[tilespmem:$0x1DC00] =	vst v63  }
0x12: {  	_ =	swait.ge [sflag:s11], $0x1900  }
0x13: {  	[sflag:s11] =	ssyncset.done $0x0  }
0x14: {  	[sflag:s11] =	ssyncadd.s32 $0xFFFFE700  }
0x15: {  	[tilespmem:s13], [sflag:$0x1] =	stream.indirect.gather [hbm4b:s1+s12], $0x80, s4, s12, $0xb8;
	[tilespmem:$0x1DC00] =	vst v63  }
0x16: {  	_ = 	snop  }
0x17: {  	[tilespmem:s14], [sflag:$0x2] =	stream.indirect.gather [hbm4b:s1+s12], $0x80, s12, s12, $0xb8;
	[tilespmem:$0x1DC00] =	vst v63  }
0x18: {  	_ =	swait.ge [sflag:s15], $0x2000  }
0x19: {  	[sflag:s15] =	ssyncset.done $0x0  }
0x1a: {  	s18 =	simm.s32 $0x100;
	[sflag:s15] =	ssyncadd.s32 $0xFFFFE000  }
0x1b: {  	s19 =	smov.u32 s9;
	s20 =	simm.s32 $0x0;
	[bflag:$0x0] =	sbarrier.arrive $0xFFFF  }
.LBB2_2:
0x1c: {  	p0 =	seq.s32 s20, $0x0  }
0x1d: {  	s21 =	sadd.s32 @!p0 $0xFFFFFFFF, s20  }
0x1e: {  	s22 =	sand.u32 @!p0 $0xFF, s21  }
0x1f: {  	s22 =	smul.u32 @!p0 $0xAB, s22;
	_ =	sdelay $0x1  }
0x20: {  	s22 =	sshrl.u32 @!p0 s22, $0x9  }
0x21: {  	s22 =	smul.u32 @!p0 $0x3, s22;
	_ =	sdelay $0x1  }
0x22: {  	s21 =	ssub.s32 @!p0 s21, s22  }
0x23: {  	s21 =	sor.u32 @!p0 $0x4, s21  }
0x24: {  	s21 =	sand.u32 @!p0 $0xFF, s21  }
0x25: {  	p1 =	sgt.u32 @!p0 s20, $0x2F;
	_ =	swait.ge @!p0 [sflag:s21], $0x4000  }
0x26: {  	p1 =	por p0, !p1;
	[sflag:s21] =	ssyncset.done @!p0 $0x0  }
0x27: {  	[sflag:s21] =	ssyncadd.s32 @!p0 $0xFFFFC000;
	s21 =	sadd.s32 @p1 $0x2, s20  }
0x28: {  	s22 =	smul.u32 @p1 $0xAB, s21;
	_ =	sdelay $0x1  }
0x29: {  	s22 =	sshrl.u32 @p1 s22, $0x9  }
0x2a: {  	s22 =	sand.u32 @p1 $0x7F, s22  }
0x2b: {  	s22 =	smul.u32 @p1 $0x3, s22;
	_ =	sdelay $0x1  }
0x2c: {  	s21 =	ssub.s32 @p1 s21, s22  }
0x2d: {  	s21 =	sand.u32 @p1 $0xFF, s21  }
0x2e: {  	s22 =	sshll.u32 @p1 s21, $0xE  }
0x2f: {  	s29 =	smul.u32 $0xAB, s20;
	s21 =	sadd.s32 @p1 $0x1, s21;
	s22 =	sor.u32 @p1 $0x1C00, s22  }
0x30: {  	[tilespmem:s22], [sflag:s21] =	stream.indirect.gather @p1 [spmem:s3], $0x80, s18, s12, $0xb8;
	[tilespmem:$0x1DC00] =	vst v63  }
0x31: {  	s21 =	sshrl.u32 s29, $0x9  }
0x32: {  	s21 =	sand.u32 $0x7F, s21  }
0x33: {  	s21 =	smul.u32 $0x3, s21;
	_ =	sdelay $0x1  }
0x34: {  	s21 =	ssub.s32 s20, s21  }
0x35: {  	s20 =	sadd.s32 $0x1, s20;
	s21 =	sand.u32 $0xFF, s21  }
0x36: {  	p0 =	sne.s32 s20, $0x32;
	s30 =	sadd.s32 $0x1, s21  }
.Ltmp0:
0x37: {  	_ =	swait.ge [sflag:s30], $0x4000;
	(pc) =	sbr.rel @p0 .LBB2_2-.Ltmp0, $4  }
0x38: {  	s23 =	sshll.u32 s21, $0xE;
	[sflag:s30] =	ssyncset.done $0x0  }
0x39: {  	s21 =	sadd.s32 $0x4, s21;
	s31 =	sor.u32 $0x1C00, s23;
	[sflag:s30] =	ssyncadd.s32 $0xFFFFC000  }
0x3a: {  	[hbm4b:s19+s4] =	stream.linear.scatter [tilespmem:s31], [sflag:s21], $0x4000, $0x38;
	[tilespmem:$0x1DC00] =	vst v63  }
0x3b: {  	s18 =	sadd.s32 $0x80, s18;
	s19 =	sadd.s32 $0x800, s19  }
0x3c: {  	s17 =	sadd.s32 $0x1, s17  }
0x3d: {  	p0 =	sne.s32 s17, s8  }
.Ltmp1:
0x3e: {  	_ = 	snop;
	(pc) =	sbr.rel @p0 .LBB2_1-.Ltmp1, $4  }
0x3f: {  	_ = 	snop  }
0x40: {  	_ =	swait.ge [sflag:s16], $0x4000  }
0x41: {  	[sflag:s16] =	ssyncset.done $0x0  }
0x42: {  	[sflag:s16] =	ssyncadd.s32 $0xFFFFC000  }
0x43: {  	_ =	sfence.sel $0x180000  }
0x44: {  	[bflag:$0x0] =	sbarrier.arrive $0xFFFF  }
0x45: {  	p0 =	sne.s32 s0, $0x0;
	_ =	strace $0x90000047  }
0x46: {  	s0 =	sadd.s32 @!p0 $0x100000, s2;
	[bflag:$0x2] =	sbarrier.arrive $0xFFFF  }
0x47: {  	[sflag:s0] =	ssyncadd.tile.s32 @!p0 $0x1;
	_ =	shalt  }
.Lfunc_end2:
_tile_overlayer_lowered:
.L_overlay_start_2:
0x48: {  	(tag) =	ssettag $0x2  }
0x49: {  	s0 =	rddreg [dreg:$0x0];
	s2 =	stileid.u32  }
0x4a: {  	s1 =	rddreg [dreg:$0x1];
	p0 =	sne.s32 s2, $0x0  }
0x4b: {  	s3 =	rddreg [dreg:$0x2];
	[bflag:$0x3] =	sbarrier.arrive $0xFFFF;
	s2 =	simm.s32 @!p0 $0x1C08  }
0x4c: {  	[timem:s3], [sflag:s2] =	dma.local @!p0 [hbm:s0], s1  }
0x4d: {  	s0 =	simm.s32 @!p0 $0x8  }
0x4e: {  	_ =	swait.ge @!p0 [sflag:s0], s1  }
0x4f: {  	s1 =	ssub.s32 @!p0 $0x0, s1;
	[sflag:s0] =	ssyncset.done @!p0 $0x0  }
0x50: {  	[sflag:s0] =	ssyncadd.s32 @!p0 s1  }
0x51: {  	[bflag:$0x3] =	sbarrier.arrive $0xFFFF  }
0x52: {  	_ =	shalt  }

</sc_bundles>
